<compile_context>
chip_gen: v7x
topology: tpu7x:2x2x1
jax: 0.10.2.dev20260603
libtpu: 0.0.44.dev20260713+nightly
codegen_flags: <defaults>
</compile_context>

<pallas_src>
import jax
import jax.numpy as jnp
from jax import lax
from jax.experimental import pallas as pl
from jax.experimental.pallas import tpu as pltpu
from jax.experimental.pallas import tpu_sc as plsc

B, L, V = 1024, 50, 1000
R = B * L
TOTAL = R * V

ZBLK = TOTAL // 50


def _tc_zero_body(out_ref):
    out_ref[...] = jnp.zeros((ZBLK,), jnp.float32)


_tc_zero = pl.pallas_call(
    _tc_zero_body,
    out_shape=jax.ShapeDtypeStruct((TOTAL,), jnp.float32),
    grid=(TOTAL // ZBLK,),
    out_specs=pl.BlockSpec((ZBLK,), lambda i: (i,)),
)

NC, NS = 2, 16
NW = NC * NS
ROWS_PER_W = R // NW
SCW = 64
NSC = ROWS_PER_W // SCW

_mesh = plsc.VectorSubcoreMesh(
    core_axis_name="c", subcore_axis_name="s", num_cores=NC, num_subcores=NS
)


def _sc_body(x_hbm, out_hbm, idx_v, pos2d, ones_v, sem_s):
    wid = lax.axis_index("s") * NC + lax.axis_index("c")
    base_row = wid * ROWS_PER_W

    pltpu.sync_copy(x_hbm.at[pl.ds(base_row, ROWS_PER_W)], idx_v)

    iota16 = lax.iota(jnp.int32, 16)
    ones_v[pl.ds(0, 16)] = jnp.ones((16,), jnp.float32)
    ones_v[pl.ds(16, 16)] = jnp.ones((16,), jnp.float32)
    ones_v[pl.ds(32, 16)] = jnp.ones((16,), jnp.float32)
    ones_v[pl.ds(48, 16)] = jnp.ones((16,), jnp.float32)

    def pos_body(j, carry):
        t = j // 4
        q = j - t * 4
        r_local = t * SCW + q * 16
        xv = idx_v[pl.ds(r_local, 16)]
        r = iota16 + (r_local + base_row)
        bb = r // L
        ll = r - bb * L
        pos = (
            ll * (V * B)
            + (xv >> 3) * (8 * 128 * 8)
            + (bb >> 7) * (8 * 128)
            + (xv & 7) * 128
            + (bb & 127)
        )
        pos2d[t, pl.ds(q * 16, 16)] = pos
        return carry

    lax.fori_loop(0, NSC * 4, pos_body, 0)

    def fire_s(t, carry):
        pltpu.async_copy(ones_v, out_hbm.at[pos2d.at[t]], sem_s)
        return carry

    lax.fori_loop(0, NSC, fire_s, 0)

    def drain_s(t, carry):
        pltpu.make_async_copy(ones_v, out_hbm.at[pos2d.at[t]], sem_s).wait()
        return carry

    lax.fori_loop(0, NSC, drain_s, 0)


_sc_scatter = pl.kernel(
    _sc_body,
    out_type=(),
    mesh=_mesh,
    scratch_types=[
        pltpu.VMEM((ROWS_PER_W,), jnp.int32),
        pltpu.VMEM((NSC, SCW), jnp.int32),
        pltpu.VMEM((SCW,), jnp.float32),
        pltpu.SemaphoreType.DMA,
    ],
    compiler_params=pltpu.CompilerParams(needs_layout_passes=False),
)


@jax.jit
def kernel(x):
    zeroed = _tc_zero()
    out_ref = jax.new_ref(zeroed)
    _sc_scatter(x.astype(jnp.int32).reshape(R), out_ref)
    flat = jax.ref.freeze(out_ref)
    five = flat.reshape(L, V // 8, B // 128, 8, 128)
    return five.transpose(2, 4, 0, 1, 3).reshape(B, L, V)

# --- scband reference (transcript-rebuilt; emitter-appended) ---
"""Pipeline reference for scband-unary-embedding-13434657702437 (READ-ONLY COPY).

The authoritative reference and input builder live on the scoring server;
editing this copy changes nothing except your own understanding.
"""

import jax, jax.numpy as jnp
import numpy as np

VOCAB_SIZE = 1000

def setup_inputs(seed: int = 0) -> dict:
    key = jax.random.key(seed)
    x = jax.random.randint(key, (1024, 50), 0, VOCAB_SIZE, dtype=jnp.int64 if jax.config.jax_enable_x64 else jnp.int32)
    return {"x": x}

def reference(x) -> jnp.ndarray:
    # Faithful translation of UnaryEmbedding.forward:
    #   out = zeros(B, L, V); out.scatter_(2, x.unsqueeze(2), 1.0)
    # i.e. out[b, l, x[b, l]] = 1.0 (one-hot via scatter-overwrite)
    B, L = x.shape
    out = jnp.zeros((B, L, VOCAB_SIZE), dtype=jnp.float32)
    out = out.at[jnp.arange(B)[:, None], jnp.arange(L)[None, :], x].set(1.0)
    return out

if __name__ == "__main__":
    import jax
    _d = setup_inputs()
    print(jax.jit(kernel)(*tuple(_d.values())))

</pallas_src>

<mosaic_0001>
#map = affine_map<(d0, d1) -> (0)>
module attributes {stable_mosaic.version = 14 : i64} {
  func.func @new_body(%arg0: i32, %arg1: i32, %arg2: memref<51200xi32, #tpu.memory_space<hbm>>, %arg3: memref<51200000xf32, #tpu.memory_space<hbm>>, %arg4: memref<51200000xf32, #tpu.memory_space<hbm>>, %arg5: memref<1600xi32, #tpu.memory_space<vmem>>, %arg6: memref<25x64xi32, #tpu.memory_space<vmem>>, %arg7: memref<64xf32, #tpu.memory_space<vmem>>, %arg8: memref<!tpu.dma_semaphore, #tpu.memory_space<semaphore_mem>>) attributes {dimension_semantics = [#tpu.dimension_semantics<core_parallel>, #tpu.dimension_semantics<subcore_parallel>], iteration_bounds = array<i64: 2, 16>, scalar_prefetch = 0 : i64, scratch_operands = 4 : i64, tpu.core_type = #tpu.core_type<sc_vector_subcore>, window_params = [{transform_indices = #map}, {transform_indices = #map}, {transform_indices = #map}]} {
    %mul3A = arith.constant 2 : i32
    %mul3A_0 = arith.muli %arg1, %mul3A : i32
    %add3A = arith.addi %mul3A_0, %arg0 : i32
    %mul3A_1 = arith.constant 1600 : i32
    %mul3A_2 = arith.muli %add3A, %mul3A_1 : i32
    "tpu.region"() ({
      %run_scoped3A = tpu.sem_alloc : memref<!tpu.dma_semaphore, #tpu.memory_space<semaphore_mem>>
      %dma_start3A = tpu.memref_slice %arg2[%mul3A_2] : memref<51200xi32, #tpu.memory_space<hbm>> -> memref<1600xi32, #tpu.memory_space<hbm>>
      %dma_start3A_34 = tpu.memref_slice %arg2[%mul3A_2] : memref<51200xi32, #tpu.memory_space<hbm>> -> memref<1600xi32, #tpu.memory_space<hbm>>
      tpu.enqueue_dma source(%dma_start3A_34 : memref<1600xi32, #tpu.memory_space<hbm>>) target(%arg5 : memref<1600xi32, #tpu.memory_space<vmem>>) target_semaphore(%run_scoped3A : memref<!tpu.dma_semaphore, #tpu.memory_space<semaphore_mem>>)
      %dma_wait3A = tpu.memref_slice %arg2[%mul3A_2] : memref<51200xi32, #tpu.memory_space<hbm>> -> memref<1600xi32, #tpu.memory_space<hbm>>
      %dma_wait3A_35 = tpu.memref_slice %arg2[%mul3A_2] : memref<51200xi32, #tpu.memory_space<hbm>> -> memref<1600xi32, #tpu.memory_space<hbm>>
      tpu.wait_dma2 semaphore(%run_scoped3A : memref<!tpu.dma_semaphore, #tpu.memory_space<semaphore_mem>>) src(%dma_wait3A_35 : memref<1600xi32, #tpu.memory_space<hbm>>) dst(%arg5 : memref<1600xi32, #tpu.memory_space<vmem>>)
      tpu.yield
    }) : () -> ()
    %iota3A = tpu.iota {dimensions = array<i32: 0>} : vector<16xi32>
    %broadcast_in_dim3A = arith.constant 1.000000e+00 : f32
    %broadcast_in_dim3A_3 = vector.broadcast %broadcast_in_dim3A : f32 to vector<16xf32>
    %swap3A = arith.constant 0 : index
    %swap3A_4 = tpu.vector_load %arg7[%swap3A] {strides = array<i32>} : memref<64xf32, #tpu.memory_space<vmem>>, vector<16xf32>,
    tpu.vector_store %arg7[%swap3A], %broadcast_in_dim3A_3 {strides = array<i32>} : memref<64xf32, #tpu.memory_space<vmem>>, vector<16xf32>,
    %broadcast_in_dim3A_5 = arith.constant 1.000000e+00 : f32
    %broadcast_in_dim3A_6 = vector.broadcast %broadcast_in_dim3A_5 : f32 to vector<16xf32>
    %swap3A_7 = arith.constant 16 : index
    %swap3A_8 = tpu.vector_load %arg7[%swap3A_7] {strides = array<i32>} : memref<64xf32, #tpu.memory_space<vmem>>, vector<16xf32>,
    tpu.vector_store %arg7[%swap3A_7], %broadcast_in_dim3A_6 {strides = array<i32>} : memref<64xf32, #tpu.memory_space<vmem>>, vector<16xf32>,
    %broadcast_in_dim3A_9 = arith.constant 1.000000e+00 : f32
    %broadcast_in_dim3A_10 = vector.broadcast %broadcast_in_dim3A_9 : f32 to vector<16xf32>
    %swap3A_11 = arith.constant 32 : index
    %swap3A_12 = tpu.vector_load %arg7[%swap3A_11] {strides = array<i32>} : memref<64xf32, #tpu.memory_space<vmem>>, vector<16xf32>,
    tpu.vector_store %arg7[%swap3A_11], %broadcast_in_dim3A_10 {strides = array<i32>} : memref<64xf32, #tpu.memory_space<vmem>>, vector<16xf32>,
    %broadcast_in_dim3A_13 = arith.constant 1.000000e+00 : f32
    %broadcast_in_dim3A_14 = vector.broadcast %broadcast_in_dim3A_13 : f32 to vector<16xf32>
    %swap3A_15 = arith.constant 48 : index
    %swap3A_16 = tpu.vector_load %arg7[%swap3A_15] {strides = array<i32>} : memref<64xf32, #tpu.memory_space<vmem>>, vector<16xf32>,
    tpu.vector_store %arg7[%swap3A_15], %broadcast_in_dim3A_14 {strides = array<i32>} : memref<64xf32, #tpu.memory_space<vmem>>, vector<16xf32>,
    %scan3A = arith.constant 0 : i32
    %scan3A_17 = arith.constant 0 : i32
    %scan3A_18 = arith.constant 100 : i32
    %scan3A_19 = arith.addi %scan3A_17, %scan3A_18 : i32
    %scan3A_20 = arith.constant 1 : i32
    scf.for %scan3A_34 = %scan3A_17 to %scan3A_19 step %scan3A_20  : i32 {
      %jit3A = arith.constant 4 : i32
      %div3A = arith.divsi %scan3A_34, %jit3A : i32
      %sign3A = arith.constant 0 : i32
      %sign3A_35 = arith.cmpi sgt, %scan3A_34, %sign3A : i32
      %sign3A_36 = arith.extui %sign3A_35 : i1 to i32
      %sign3A_37 = arith.constant 0 : i32
      %sign3A_38 = arith.cmpi slt, %scan3A_34, %sign3A_37 : i32
      %sign3A_39 = arith.extui %sign3A_38 : i1 to i32
      %sign3A_40 = arith.subi %sign3A_36, %sign3A_39 : i32
      %sign3A_41 = arith.constant 0 : i32
      %sign3A_42 = arith.cmpi sgt, %jit3A, %sign3A_41 : i32
      %sign3A_43 = arith.extui %sign3A_42 : i1 to i32
      %sign3A_44 = arith.constant 0 : i32
      %sign3A_45 = arith.cmpi slt, %jit3A, %sign3A_44 : i32
      %sign3A_46 = arith.extui %sign3A_45 : i1 to i32
      %sign3A_47 = arith.subi %sign3A_43, %sign3A_46 : i32
      %ne3A = arith.cmpi ne, %sign3A_40, %sign3A_47 : i32
      %rem3A = arith.remsi %scan3A_34, %jit3A : i32
      %ne3A_48 = arith.constant 0 : i32
      %ne3A_49 = arith.cmpi ne, %rem3A, %ne3A_48 : i32
      %and3A = arith.andi %ne3A, %ne3A_49 : i1
      %sub3A = arith.constant 1 : i32
      %sub3A_50 = arith.subi %div3A, %sub3A : i32
      %select_n3A = arith.select %and3A, %sub3A_50, %div3A : i32
      %mul3A_51 = arith.constant 4 : i32
      %mul3A_52 = arith.muli %select_n3A, %mul3A_51 : i32
      %sub3A_53 = arith.subi %scan3A_34, %mul3A_52 : i32
      %mul3A_54 = arith.constant 64 : i32
      %mul3A_55 = arith.muli %select_n3A, %mul3A_54 : i32
      %mul3A_56 = arith.constant 16 : i32
      %mul3A_57 = arith.muli %sub3A_53, %mul3A_56 : i32
      %add3A_58 = arith.addi %mul3A_55, %mul3A_57 : i32
      %get3A = arith.index_cast %add3A_58 : i32 to index
      %get3A_59 = tpu.vector_load %arg5[%get3A] {strides = array<i32>} : memref<1600xi32, #tpu.memory_space<vmem>>, vector<16xi32>,
      %add3A_60 = arith.addi %add3A_58, %mul3A_2 : i32
      %add3A_61 = vector.broadcast %add3A_60 : i32 to vector<16xi32>
      %add3A_62 = arith.addi %iota3A, %add3A_61 : vector<16xi32>
      %jit3A_63 = arith.constant 50 : i32
      %div3A_64 = vector.broadcast %jit3A_63 : i32 to vector<16xi32>
      %div3A_65 = arith.divsi %add3A_62, %div3A_64 : vector<16xi32>
      %sign3A_66 = arith.constant 0 : i32
      %sign3A_67 = vector.broadcast %sign3A_66 : i32 to vector<16xi32>
      %sign3A_68 = arith.cmpi sgt, %add3A_62, %sign3A_67 : vector<16xi32>
      %sign3A_69 = arith.extui %sign3A_68 : vector<16xi1> to vector<16xi32>
      %sign3A_70 = arith.constant 0 : i32
      %sign3A_71 = vector.broadcast %sign3A_70 : i32 to vector<16xi32>
      %sign3A_72 = arith.cmpi slt, %add3A_62, %sign3A_71 : vector<16xi32>
      %sign3A_73 = arith.extui %sign3A_72 : vector<16xi1> to vector<16xi32>
      %sign3A_74 = arith.subi %sign3A_69, %sign3A_73 : vector<16xi32>
      %sign3A_75 = arith.constant 0 : i32
      %sign3A_76 = arith.cmpi sgt, %jit3A_63, %sign3A_75 : i32
      %sign3A_77 = arith.extui %sign3A_76 : i1 to i32
      %sign3A_78 = arith.constant 0 : i32
      %sign3A_79 = arith.cmpi slt, %jit3A_63, %sign3A_78 : i32
      %sign3A_80 = arith.extui %sign3A_79 : i1 to i32
      %sign3A_81 = arith.subi %sign3A_77, %sign3A_80 : i32
      %ne3A_82 = vector.broadcast %sign3A_81 : i32 to vector<16xi32>
      %ne3A_83 = arith.cmpi ne, %sign3A_74, %ne3A_82 : vector<16xi32>
      %rem3A_84 = vector.broadcast %jit3A_63 : i32 to vector<16xi32>
      %rem3A_85 = arith.remsi %add3A_62, %rem3A_84 : vector<16xi32>
      %ne3A_86 = arith.constant 0 : i32
      %ne3A_87 = vector.broadcast %ne3A_86 : i32 to vector<16xi32>
      %ne3A_88 = arith.cmpi ne, %rem3A_85, %ne3A_87 : vector<16xi32>
      %and3A_89 = arith.andi %ne3A_83, %ne3A_88 : vector<16xi1>
      %sub3A_90 = arith.constant 1 : i32
      %sub3A_91 = vector.broadcast %sub3A_90 : i32 to vector<16xi32>
      %sub3A_92 = arith.subi %div3A_65, %sub3A_91 : vector<16xi32>
      %select_n3A_93 = arith.select %and3A_89, %sub3A_92, %div3A_65 : vector<16xi1>, vector<16xi32>
      %mul3A_94 = arith.constant 50 : i32
      %mul3A_95 = vector.broadcast %mul3A_94 : i32 to vector<16xi32>
      %mul3A_96 = arith.muli %select_n3A_93, %mul3A_95 : vector<16xi32>
      %sub3A_97 = arith.subi %add3A_62, %mul3A_96 : vector<16xi32>
      %mul3A_98 = arith.constant 1024000 : i32
      %mul3A_99 = vector.broadcast %mul3A_98 : i32 to vector<16xi32>
      %mul3A_100 = arith.muli %sub3A_97, %mul3A_99 : vector<16xi32>
      %shift_right_arithmetic3A = arith.constant 3 : i32
      %shift_right_arithmetic3A_101 = vector.broadcast %shift_right_arithmetic3A : i32 to vector<16xi32>
      %shift_right_arithmetic3A_102 = arith.shrsi %get3A_59, %shift_right_arithmetic3A_101 : vector<16xi32>
      %mul3A_103 = arith.constant 8192 : i32
      %mul3A_104 = vector.broadcast %mul3A_103 : i32 to vector<16xi32>
      %mul3A_105 = arith.muli %shift_right_arithmetic3A_102, %mul3A_104 : vector<16xi32>
      %add3A_106 = arith.addi %mul3A_100, %mul3A_105 : vector<16xi32>
      %shift_right_arithmetic3A_107 = arith.constant 7 : i32
      %shift_right_arithmetic3A_108 = vector.broadcast %shift_right_arithmetic3A_107 : i32 to vector<16xi32>
      %shift_right_arithmetic3A_109 = arith.shrsi %select_n3A_93, %shift_right_arithmetic3A_108 : vector<16xi32>
      %mul3A_110 = arith.constant 1024 : i32
      %mul3A_111 = vector.broadcast %mul3A_110 : i32 to vector<16xi32>
      %mul3A_112 = arith.muli %shift_right_arithmetic3A_109, %mul3A_111 : vector<16xi32>
      %add3A_113 = arith.addi %add3A_106, %mul3A_112 : vector<16xi32>
      %and3A_114 = arith.constant 7 : i32
      %and3A_115 = vector.broadcast %and3A_114 : i32 to vector<16xi32>
      %and3A_116 = arith.andi %get3A_59, %and3A_115 : vector<16xi32>
      %mul3A_117 = arith.constant 128 : i32
      %mul3A_118 = vector.broadcast %mul3A_117 : i32 to vector<16xi32>
      %mul3A_119 = arith.muli %and3A_116, %mul3A_118 : vector<16xi32>
      %add3A_120 = arith.addi %add3A_113, %mul3A_119 : vector<16xi32>
      %and3A_121 = arith.constant 127 : i32
      %and3A_122 = vector.broadcast %and3A_121 : i32 to vector<16xi32>
      %and3A_123 = arith.andi %select_n3A_93, %and3A_122 : vector<16xi32>
      %add3A_124 = arith.addi %add3A_120, %and3A_123 : vector<16xi32>
      %mul3A_125 = arith.constant 16 : i32
      %mul3A_126 = arith.muli %sub3A_53, %mul3A_125 : i32
      %swap3A_127 = arith.index_cast %select_n3A : i32 to index
      %swap3A_128 = arith.index_cast %mul3A_126 : i32 to index
      %swap3A_129 = tpu.vector_load %arg6[%swap3A_127, %swap3A_128] {strides = array<i32>} : memref<25x64xi32, #tpu.memory_space<vmem>>, vector<16xi32>,
      tpu.vector_store %arg6[%swap3A_127, %swap3A_128], %add3A_124 {strides = array<i32>} : memref<25x64xi32, #tpu.memory_space<vmem>>, vector<16xi32>,
    }
    %scan3A_21 = arith.constant 100 : i32
    %scan3A_22 = arith.constant 0 : i32
    %scan3A_23 = arith.constant 0 : i32
    %scan3A_24 = arith.constant 25 : i32
    %scan3A_25 = arith.addi %scan3A_23, %scan3A_24 : i32
    %scan3A_26 = arith.constant 1 : i32
    scf.for %scan3A_34 = %scan3A_23 to %scan3A_25 step %scan3A_26  : i32 {
      %dma_start3A = arith.constant 0 : i32
      %dma_start3A_35 = tpu.memref_slice %arg6[%scan3A_34, %dma_start3A] : memref<25x64xi32, #tpu.memory_space<vmem>> -> memref<1x64xi32, #tpu.memory_space<vmem>>
      %dma_start3A_36 = tpu.memref_squeeze %dma_start3A_35 : memref<1x64xi32, #tpu.memory_space<vmem>> -> memref<64xi32, #tpu.memory_space<vmem>>
      %dma_start3A_37 = arith.constant 0 : i32
      %dma_start3A_38 = tpu.memref_slice %arg3[%dma_start3A_37] : memref<51200000xf32, #tpu.memory_space<hbm>> -> memref<51200000xf32, #tpu.memory_space<hbm>>
      tpu.enqueue_indirect_dma source(%arg7 : memref<64xf32, #tpu.memory_space<vmem>>) target(%dma_start3A_38 : memref<51200000xf32, #tpu.memory_space<hbm>>) offsets(%dma_start3A_36 : memref<64xi32, #tpu.memory_space<vmem>>) semaphore(%arg8 : memref<!tpu.dma_semaphore, #tpu.memory_space<semaphore_mem>>)
    }
    %scan3A_27 = arith.constant 25 : i32
    %scan3A_28 = arith.constant 0 : i32
    %scan3A_29 = arith.constant 0 : i32
    %scan3A_30 = arith.constant 25 : i32
    %scan3A_31 = arith.addi %scan3A_29, %scan3A_30 : i32
    %scan3A_32 = arith.constant 1 : i32
    scf.for %scan3A_34 = %scan3A_29 to %scan3A_31 step %scan3A_32  : i32 {
      %dma_wait3A = arith.constant 0 : i32
      %dma_wait3A_35 = tpu.memref_slice %arg6[%scan3A_34, %dma_wait3A] : memref<25x64xi32, #tpu.memory_space<vmem>> -> memref<1x64xi32, #tpu.memory_space<vmem>>
      %dma_wait3A_36 = tpu.memref_squeeze %dma_wait3A_35 : memref<1x64xi32, #tpu.memory_space<vmem>> -> memref<64xi32, #tpu.memory_space<vmem>>
      %dma_wait3A_37 = arith.constant 0 : i32
      %dma_wait3A_38 = tpu.memref_slice %arg3[%dma_wait3A_37] : memref<51200000xf32, #tpu.memory_space<hbm>> -> memref<51200000xf32, #tpu.memory_space<hbm>>
      tpu.wait_indirect_dma semaphore(%arg8 : memref<!tpu.dma_semaphore, #tpu.memory_space<semaphore_mem>>) src(%arg7 : memref<64xf32, #tpu.memory_space<vmem>>) dst(%dma_wait3A_38 : memref<51200000xf32, #tpu.memory_space<hbm>>)
    }
    %scan3A_33 = arith.constant 25 : i32
    return
  }
}

module attributes {stable_mosaic.version = 14 : i64} {
  func.func @_tc_zero_body(%arg0: i32, %arg1: memref<1024000xf32, #tpu.memory_space<vmem>>) attributes {dimension_semantics = [#tpu.dimension_semantics<arbitrary>], iteration_bounds = array<i64: 50>, scalar_prefetch = 0 : i64, scratch_operands = 0 : i64, tpu.core_type = #tpu.core_type<tc>, window_params = [{transform_indices = @transform_0, window_bounds = array<i64: 1024000>}]} {
    %broadcast_in_dim3A = arith.constant 0.000000e+00 : f32
    %broadcast_in_dim3A_0 = vector.broadcast %broadcast_in_dim3A : f32 to vector<1024000xf32>
    %swap3A = arith.constant 0 : index
    %swap3A_1 = vector.load %arg1[%swap3A] : memref<1024000xf32, #tpu.memory_space<vmem>>, vector<1024000xf32>
    tpu.vector_store %arg1[%swap3A], %broadcast_in_dim3A_0 {strides = array<i32>} : memref<1024000xf32, #tpu.memory_space<vmem>>, vector<1024000xf32>,
    return
  }
  func.func @transform_0(%arg0: i32) -> i32 {
    %c0_i32 = arith.constant 0 : i32
    return %arg0 : i32
  }
}

</mosaic_0001>

<sc_bundles>
// kernel: kernel.4.cloned.1.call-start
scs
__scs_entry_jumppad:
0x0: {  	(pc) =	sbr.rel $0x88, $3  }
0x1: {  	(tag) =	ssettag $0x0;
	lr =	simm.s32 $0x1  }
0x2: {  	[smem:$0x3FA0] =	sst lr;
	_ =	strace $0xD0000000  }
0x3: {  	_ = 	snop  }
0x4: {  	_ = 	snop  }
0x5: {  	_ = 	snop  }
0x6: {  	_ = 	snop  }
0x7: {  	_ = 	snop  }
__scs_overlays_trampoline_lowered:
0x8: {  	[smem:$0x3FAF] =	sst s0  }
0x9: {  	[smem:$0x3FB0] =	sst s1  }
0xa: {  	[smem:$0x3FB1] =	sst s2  }
0xb: {  	[smem:$0x3FB2] =	sst s3  }
0xc: {  	[smem:$0x3FB3] =	sst s4  }
0xd: {  	[smem:$0x3FB4] =	sst s5  }
0xe: {  	[smem:$0x3FB5] =	sst s6  }
0xf: {  	[smem:$0x3FB6] =	sst s7  }
0x10: {  	[smem:$0x3FB7] =	sst s8  }
0x11: {  	[smem:$0x3FB8] =	sst s9;
	s0 =	simm.s32 @!p0 $0x0  }
0x12: {  	s1 =	sld [smem:$0x3F9E];
	s0 =	simm.s32 @p0 $0x1  }
0x13: {  	[smem:$0x3FB9] =	sst s0;
	s0 =	simm.s32 @!p1 $0x0  }
0x14: {  	s2 =	sld [smem:$0x3F9D];
	s0 =	simm.s32 @p1 $0x1  }
0x15: {  	[smem:$0x3FBA] =	sst s0;
	s0 =	simm.s32 @!p2 $0x0  }
0x16: {  	s3 =	sld [smem:$0x3FDB];
	s0 =	simm.s32 @p2 $0x1  }
0x17: {  	s4 =	simm.s32 $0x1BF5;
	[smem:$0x3FBC] =	sst s0  }
0x18: {  	s0 =	sld [smem:$0x3F9F];
	_ =	swait.ge [sflag:s4], $0x0  }
0x19: {  	s7 =	sld [smem:$0x3FA0]  }
0x1a: {  	s8 =	sadd.s32 $0xFFFFE003, lr  }
0x1b: {  	s9 =	sadd.s32 $0xFFFFFEF7, lr;
	s5 =	simm.s32 $0xFFFFFFFF;
	p2 =	slt.u32 s8, $0xFFFFF086  }
0x1c: {  	p1 =	slt.u32 s9, $0xF7A;
	s5 =	simm.s32 @!p2 $0x0  }
0x1d: {  	s5 =	simm.s32 @p1 $0x1;
	p0 =	seq.s32 s7, s2  }
0x1e: {  	s7 =	smul.u32 @!p0 $0xF7A, s2;
	p2 =	seq.s32 @!p0 s5, $0x0  }
0x1f: {  	s9 =	smul.u32 $0xF7A, s1;
	s8 =	simm.s32 @!p0 $0x1BF5;
	p2 =	por !p2, p0  }
0x20: {  	[sflag:s8] =	ssyncset.s32 @!p0 $0xFFFFF086;
	s6 =	sadd.s32 @!p0 s3, s7;
	s7 =	simm.s32 @!p0 $0x108  }
0x21: {  	s3 =	sadd.s32 s3, s9;
	s6 =	sadd.s32 @!p0 $0x88, s6;
	s7 =	simm.s32 @p2 $0x1082  }
0x22: {  	[simem:s7], [sflag:s8] =	dma.local @!p0 [hbm:s6], $0xF7A  }
0x23: {  	s9 =	sor.u32 $0xD0000000, s2;
	s6 =	simm.s32 $0x108;
	_ =	swait.ge @!p0 [sflag:s8], $0x0  }
0x24: {  	s3 =	sadd.s32 $0x88, s3;
	s6 =	simm.s32 @!p1 $0x1082;
	[sflag:s4] =	ssyncset.s32 $0xFFFFF086  }
0x25: {  	[simem:s6], [sflag:s4] =	dma.local [hbm:s3], $0xF7A  }
0x26: {  	[smem:$0x3FA0] =	sst s1;
	(tag) =	ssettag s2;
	_ =	strace s9  }
0x27: {  	s1 =	sld [smem:$0x3FB0]  }
0x28: {  	s2 =	sld [smem:$0x3FB1]  }
0x29: {  	s4 =	sld [smem:$0x3FB3]  }
0x2a: {  	p0 =	seq.s32 s5, $0x0;
	s5 =	sld [smem:$0x3FB4]  }
0x2b: {  	s6 =	sld [smem:$0x3FB5]  }
0x2c: {  	s7 =	sld [smem:$0x3FB6]  }
0x2d: {  	s3 =	simm.s32 $0x108;
	s8 =	sld [smem:$0x3FB7]  }
0x2e: {  	s3 =	simm.s32 @!p0 $0x1082;
	s9 =	sld [smem:$0x3FB8]  }
0x2f: {  	lr =	sadd.s32 s0, s3;
	s0 =	sld [smem:$0x3FAF]  }
0x30: {  	s3 =	sld [smem:$0x3FB2]  }
0x31: {  	[smem:$0x3FBB] =	sst s10  }
0x32: {  	s10 =	sld [smem:$0x3FB9];
	_ =	sdelay $0x3  }
0x33: {  	p0 =	seq.s32 s10, $0x1;
	s10 =	sld [smem:$0x3FBB];
	_ =	sdelay $0x3  }
0x34: {  	[smem:$0x3FBB] =	sst s10  }
0x35: {  	s10 =	sld [smem:$0x3FBA];
	_ =	sdelay $0x3  }
0x36: {  	p1 =	seq.s32 s10, $0x1;
	s10 =	sld [smem:$0x3FBB];
	_ =	sdelay $0x3  }
0x37: {  	[smem:$0x3FBB] =	sst s10  }
0x38: {  	s10 =	sld [smem:$0x3FBC]  }
0x39: {  	_ = 	snop;
	(pc) =	sbr.ind lr, $3  }
0x3a: {  	_ = 	snop  }
0x3b: {  	_ = 	snop  }
0x3c: {  	p2 =	seq.s32 s10, $0x1;
	s10 =	sld [smem:$0x3FBB]  }
0x3d: {  	_ =	shalt  }
0x3e: {  	_ =	shalt  }
0x3f: {  	_ =	shalt  }
0x40: {  	_ =	shalt  }
0x41: {  	_ =	shalt  }
0x42: {  	_ =	shalt  }
0x43: {  	_ =	shalt  }
0x44: {  	_ =	shalt  }
0x45: {  	_ =	shalt  }
0x46: {  	_ =	shalt  }
0x47: {  	_ =	shalt  }
0x48: {  	_ =	shalt  }
0x49: {  	_ =	shalt  }
0x4a: {  	_ =	shalt  }
0x4b: {  	_ =	shalt  }
0x4c: {  	_ =	shalt  }
0x4d: {  	_ =	shalt  }
0x4e: {  	_ =	shalt  }
0x4f: {  	_ =	shalt  }
0x50: {  	_ =	shalt  }
0x51: {  	_ =	shalt  }
0x52: {  	_ =	shalt  }
0x53: {  	_ =	shalt  }
0x54: {  	_ =	shalt  }
0x55: {  	_ =	shalt  }
0x56: {  	_ =	shalt  }
0x57: {  	_ =	shalt  }
0x58: {  	_ =	shalt  }
0x59: {  	_ =	shalt  }
0x5a: {  	_ =	shalt  }
0x5b: {  	_ =	shalt  }
0x5c: {  	_ =	shalt  }
0x5d: {  	_ =	shalt  }
0x5e: {  	_ =	shalt  }
0x5f: {  	_ =	shalt  }
0x60: {  	_ =	shalt  }
0x61: {  	_ =	shalt  }
0x62: {  	_ =	shalt  }
0x63: {  	_ =	shalt  }
0x64: {  	_ =	shalt  }
0x65: {  	_ =	shalt  }
0x66: {  	_ =	shalt  }
0x67: {  	_ =	shalt  }
0x68: {  	_ =	shalt  }
0x69: {  	_ =	shalt  }
0x6a: {  	_ =	shalt  }
0x6b: {  	_ =	shalt  }
0x6c: {  	_ =	shalt  }
0x6d: {  	_ =	shalt  }
0x6e: {  	_ =	shalt  }
0x6f: {  	_ =	shalt  }
0x70: {  	_ =	shalt  }
0x71: {  	_ =	shalt  }
0x72: {  	_ =	shalt  }
0x73: {  	_ =	shalt  }
0x74: {  	_ =	shalt  }
0x75: {  	_ =	shalt  }
0x76: {  	_ =	shalt  }
0x77: {  	_ =	shalt  }
0x78: {  	_ =	shalt  }
0x79: {  	_ =	shalt  }
0x7a: {  	_ =	shalt  }
0x7b: {  	_ =	shalt  }
0x7c: {  	_ =	shalt  }
0x7d: {  	_ =	shalt  }
0x7e: {  	_ =	shalt  }
0x7f: {  	_ =	shalt  }
0x80: {  	_ =	shalt  }
0x81: {  	_ =	shalt  }
0x82: {  	_ =	shalt  }
0x83: {  	_ =	shalt  }
0x84: {  	_ =	shalt  }
0x85: {  	_ =	shalt  }
0x86: {  	_ =	shalt  }
0x87: {  	_ =	shalt  }
.Lfunc_end0:
.L_simem_size_0:
called_computation_lowered:
.L_overlay_start_0:
0x88: {  	s2 =	sld [smem:$0x3FD9]  }
0x89: {  	s3 =	sld [smem:$0x3FFE];
	_ =	sdelay $0x1  }
0x8a: {  	s1 =	srdreg.scid  }
0x8b: {  	s0 =	sand.u32 $0x1, s1  }
0x8c: {  	s17 =	sshll.u32 s0, $0xA;
	s2 =	sadd.s32 s3, s2  }
0x8d: {  	s2 =	sadd.s32 s2, s17  }
0x8e: {  	[smem:$0x3FC7] =	sst s2  }
0x8f: {  	_ = 	snop  }
0x90: {  	s2 =	sld [smem:$0x3FD0];
	(tm) =	ssettm $0x1  }
0x91: {  	s18 =	sld [smem:$0x3FFB];
	_ =	sdelay $0x3  }
0x92: {  	_ =	strace s18  }
0x93: {  	s3 =	sld [smem:$0x3FFC];
	_ =	sdelay $0x3  }
0x94: {  	_ =	strace s3  }
0x95: {  	s3 =	sld [smem:$0x3FFD];
	_ =	sdelay $0x3  }
0x96: {  	_ =	strace s3  }
0x97: {  	_ =	strace $0x8FFFFFFF  }
0x98: {  	s19 =	sld [smem:$0x3FDB];
	_ =	sdelay $0x1  }
0x99: {  	s4 =	simm.s32 $_scs_section_size  }
0x9a: {  	s5 =	simm.s32 $_size__tile_overlayer_lowered;
	s6 =	simm.s32 $_tile_overlayer_lowered  }
0x9b: {  	s22 =	simm.s32 $0x1BFF;
	s21 =	sshll.u32 s6, $0x1;
	s3 =	sadd.s32 s4, s19  }
0x9c: {  	s7 =	simm.s32 $0x0;
	s20 =	sshll.u32 s5, $0x1;
	s5 =	sadd.s32 s21, s3  }
0x9d: {  	[timem:s7], [sflag:s22] =	dma.local [hbm:s5], s20  }
0x9e: {  	_ =	swait.ge [sflag:s22], s20  }
0x9f: {  	s4 =	ssub.s32 $0x0, s20;
	[sflag:s22] =	ssyncset.done $0x0  }
0xa0: {  	[sflag:s22] =	ssyncadd.s32 s4;
	_ =	sdelay $0x1  }
0xa1: {  	s23 =	simm.s32 $0x1B8B  }
0xa2: {  	_ =	swait.ge [sflag:s23], $0x1  }
0xa3: {  	[sflag:s23] =	ssyncset.done $0x0  }
0xa4: {  	s25 =	simm.s32 $0x1B8E;
	s24 =	sld [smem:$0x3FFE];
	[sflag:s23] =	ssyncadd.s32 $0xFFFFFFFF  }
0xa5: {  	s26 =	simm.s32 $execute0_lowered;
	[smem:$0x3FD2] =	sst s25  }
0xa6: {  	s5 =	sshll.u32 s26, $0x1;
	_ =	strace $0x80000046;
	[dreg:$0x1] =	wrdreg $0xFFFFFFFF  }
0xa7: {  	s28 =	simm.s32 $_size_execute0_lowered;
	s3 =	sadd.s32 s3, s5;
	[dreg:$0x0] =	wrdreg $0x0  }
0xa8: {  	s5 =	sshll.u32 s28, $0x1;
	[dreg:$0x2] =	wrdreg s3  }
0xa9: {  	[dreg:$0x3] =	wrdreg s5  }
0xaa: {  	[dreg:$0x4] =	wrdreg $0xC0  }
0xab: {  	_ =	task [dreg:s7], $0x5FFFF  }
0xac: {  	[dreg:$0x1] =	wrdreg $0xFFFFFFFF  }
0xad: {  	[dreg:$0x0] =	wrdreg $0x60  }
0xae: {  	[dreg:$0x2] =	wrdreg s24  }
0xaf: {  	[dreg:$0x3] =	wrdreg s2  }
0xb0: {  	[dreg:$0x4] =	wrdreg $0x9  }
0xb1: {  	_ =	task.clear_ibuf [dreg:s7], $0x5FFFF;
	_ =	strace $0x90000046  }
0xb2: {  	s29 =	simm.s32 $0x9;
	_ =	strace $0x80000048  }
0xb3: {  	_ =	swait.ge [sflag:s29], $0x1  }
0xb4: {  	[sflag:s29] =	ssyncadd.s32 $0xFFFFFFFF  }
0xb5: {  	_ =	strace $0x90000048  }
0xb6: {  	_ =	sfence  }
0xb7: {  	s30 =	sld [smem:$0x0];
	_ =	sdelay $0x2  }
0xb8: {  	s31 =	sshll.u32 s1, $0xD;
	s1 =	sshrl.u32 s1, $0x2  }
0xb9: {  	s3 =	sand.u32 $0x4000, s31;
	s1 =	sadd.s32 s1, s30  }
0xba: {  	s0 =	sor.u32 s3, s0;
	s1 =	sshll.u32 s1, $0x11  }
0xbb: {  	s0 =	sor.u32 s1, s0  }
0xbc: {  	s0 =	sadd.s32 $0x8F2B, s0  }
0xbd: {  	[sflag:s0] =	ssyncadd.remote.s32 $0x1  }
0xbe: {  	_ =	sfence.sel $0xFFFF  }
0xbf: {  	[dreg:$0x0] =	wrdreg $0xFFFFFFFF;
	(pc) =	sbr.abs _section_cstart, $3  }
0xc0: {  	[dreg:$0x1] =	wrdreg $0xFFFFFFFF  }
0xc1: {  	_ =	task.clear_ibuf [dreg:s7], $0x2FFFF;
	_ =	strace $0x9FFFFFFF  }
0xc2: {  	(tm) =	ssettm $0x7FFFFFFF  }
0xc3: {  	_ =	shalt  }
tec
execute0_lowered:
.L_overlay_start_1:
0x0: {  	(tag) =	ssettag $0x1  }
0x1: {  	s0 =	srdreg.scid;
	s1 =	rddreg [dreg:$0x0]  }
0x2: {  	s6 =	stileid.u32;
	s2 =	rddreg [dreg:$0x1];
	s8 =	simm.s32 $0x40  }
0x3: {  	s10 =	simm.s32 $0x1680;
	s23 =	simm.s32 $0xD00;
	s24 =	simm.s32 $0xD80  }
0x4: {  	s25 =	simm.s32 $0xE00;
	s26 =	simm.s32 $0xE80;
	s28 =	simm.s32 $0xF00  }
0x5: {  	s29 =	simm.s32 $0xF80;
	s30 =	simm.s32 $0x1000;
	s31 =	simm.s32 $0x1080  }
0x6: {  	s9 =	simm.s32 $0x1200;
	s0 =	sand.u32 $0x1, s0;
	s3 =	sshll.u32 s6, $0x1  }
0x7: {  	s11 =	simm.s32 $0x1280;
	s6 =	smul.u32 $0xC80, s6;
	s4 =	sor.u32 s0, s3  }
0x8: {  	s3 =	simm.s32 $0x0;
	s5 =	ssub.s32 $0x2, s0;
	s0 =	smul.u32 $0x640, s0  }
0x9: {  	s12 =	simm.s32 $0x1;
	s4 =	smul.u32 $0x640, s4;
	[smem:$0x7FF] =	sst s3  }
0xa: {  	s13 =	simm.s32 $0x0;
	s7 =	sshrl.u32 s5, $0x1;
	_ =	strace $0x80000047  }
0xb: {  	s5 =	ssub.s32 s5, s7;
	s6 =	sadd.s32 s0, s6;
	s4 =	sshrl.u32 s4, $0x3  }
0xc: {  	s7 =	simm.s32 $0x2;
	s0 =	simm.s32 $0x1180;
	s1 =	sadd.s32 s4, s1  }
0xd: {  	v0 =	vimm.f32 $1.000000000e+00;
	v1 =	vlaneseq.u32;
	v2 =	vimm.s32 $0x0;
	s5 =	smax.u32 s5, $0x1;
	s4 =	sadd.s32 $0x600, s1;
	s1 =	simm.s32 $0x1100  }
.LBB2_1:
0xe: {  	[tilespmem:s3], [sflag:$0x2] =	stream.linear.gather [hbm4b:s4+s3], $0x640, $0x38;
	[tilespmem:$0x1700] =	vst v63  }
0xf: {  	_ =	swait.ge [sflag:s7], $0x640  }
0x10: {  	v4 =	vor.u32 s6, v1;
	[sflag:s7] =	ssyncset.done $0x0  }
0x11: {  	v3 =	vmulhi.u32 $0x51EB851F, v4;
	[sflag:s7] =	ssyncadd.s32 $0xFFFFF9C0  }
0x12: {  	[tilespmem:$0x1680] =	vst v0  }
0x13: {  	v3 =	vshrl.u32 v3, $0x4;
	[tilespmem:$0x1690] =	vst v0  }
0x14: {  	v5 =	vmul.u32 $0xFFFFFFCE, v3;
	[tilespmem:$0x16A0] =	vst v0  }
0x15: {  	v6 =	vmov s6;
	v7 =	vsub.s32 $0x0, v4;
	[tilespmem:$0x16B0] =	vst v0  }
0x16: {  	vm0 =	veq.s32 v6, v1;
	v6 =	vld [tilespmem:s3+$0x0];
	vm1 =	vne.s32 v5, v7  }
0x17: {  	vm0 =	vmand vm0, vm1  }
0x18: {  	s14 =	sadd.s32 $0x10, s6;
	v5 =	vsel vm0, $0xFFFFFFFF, v2  }
0x19: {  	v5 =	vadd.s32 v5, v3;
	v3 =	vor.u32 s14, v1  }
0x1a: {  	v8 =	vmov s14;
	v7 =	vmul.u32 $0xFFFFFFCE, v5;
	v9 =	vmulhi.u32 $0x51EB851F, v3  }
0x1b: {  	vm14 =	veq.s32 v8, v1;
	v10 =	vshll.u32 v6, $0xA  }
0x1c: {  	s15 =	simm.s32 $0x0;
	v4 =	vadd.s32 v4, v7;
	v7 =	vshll.u32 v5, $0x3;
	v8 =	vshrl.u32 v9, $0x4  }
0x1d: {  	s15 =	sand.u32 $0xFFFFFFC0, s15;
	v5 =	vand.u32 $0x7F, v5;
	v4 =	vmul.u32 $0xFA000, v4;
	v7 =	vand.u32 $0xFFFFFC00, v7  }
0x1e: {  	s16 =	simm.s32 $0x0;
	s15 =	ssub.s32 $0x0, s15;
	v11 =	vsub.s32 $0x0, v3;
	v9 =	vmul.u32 $0xFFFFFFCE, v8;
	v5 =	vor.u32 v5, v7  }
0x1f: {  	s16 =	sand.u32 $0x3FFFFF80, s16;
	s17 =	sand.u32 $0xFFFFFF80, s15;
	v6 =	vshll.u32 v6, $0x7;
	v7 =	vand.u32 $0xFFFFE000, v10;
	v4 =	vadd.s32 v4, v5  }
0x20: {  	s15 =	sand.u32 $0x70, s15;
	s16 =	sadd.s32 s17, s16;
	vm15 =	vne.s32 v9, v11;
	v5 =	vand.u32 $0x380, v6;
	v4 =	vadd.s32 v7, v4  }
0x21: {  	s15 =	sor.u32 s15, s16;
	vm0 =	vmand vm14, vm15;
	v4 =	vor.u32 v5, v4  }
0x22: {  	s17 =	sadd.s32 $0x10, s14;
	v5 =	vsel vm0, $0xFFFFFFFF, v2;
	[tilespmem:s15+$0x680] =	vst v4;
	s15 =	simm.s32 $0x10  }
0x23: {  	s19 =	simm.s32 $0x3;
	v4 =	vor.u32 s17, v1;
	v6 =	vadd.s32 v5, v8;
	v5 =	vld [tilespmem:s15+$0x0]  }
0x24: {  	s18 =	simm.s32 $0x0;
	s16 =	simm.s32 $0x1;
	s14 =	simm.s32 $0x2;
	v9 =	vmov s17;
	v7 =	vmulhi.u32 $0x51EB851F, v4;
	v8 =	vmul.u32 $0xFFFFFFCE, v6  }
.LBB2_2:
0x25: {  	p0 =	sne.s32 s19, $0x63;
	vm0 =	veq.s32 v9, v1;
	v9 =	vsub.s32 $0x0, v4  }
0x26: {  	s20 =	sshll.u32 s16, $0x4;
	v10 =	vshll.u32 v6, $0x3;
	v7 =	vshrl.u32 v7, $0x4;
	v8 =	vadd.s32 v3, v8;
	v3 =	vmovc v4  }
0x27: {  	v6 =	vand.u32 $0x7F, v6;
	s18 =	sadd.s32 $0x10, s18;
	s20 =	sand.u32 $0xFFFFFFC0, s20;
	v4 =	vmul.u32 $0xFA000, v8;
	v8 =	vand.u32 $0xFFFFFC00, v10  }
0x28: {  	s21 =	sshll.u32 s16, $0x5;
	s16 =	smov.u32 s14;
	v10 =	vmul.u32 $0xFFFFFFCE, v7;
	s20 =	ssub.s32 s18, s20;
	v11 =	vshll.u32 v5, $0xA;
	v6 =	vor.u32 v6, v8  }
0x29: {  	s14 =	smov.u32 s19;
	s21 =	sand.u32 $0x3FFFFF80, s21;
	v5 =	vshll.u32 v5, $0x7;
	s22 =	sand.u32 $0xFFFFFF80, s20;
	v8 =	vand.u32 $0xFFFFE000, v11;
	v4 =	vadd.s32 v4, v6  }
.Ltmp0:
0x2a: {  	s20 =	sand.u32 $0x70, s20;
	vm1 =	vne.s32 v10, v9;
	v5 =	vand.u32 $0x380, v5;
	s21 =	sadd.s32 s22, s21;
	v4 =	vadd.s32 v8, v4;
	(pc) =	sbr.rel @p0 .LBB2_2-.Ltmp0, $4  }
0x2b: {  	vm0 =	vmand vm0, vm1;
	s20 =	sor.u32 s20, s21;
	v4 =	vor.u32 v5, v4  }
0x2c: {  	s17 =	sadd.s32 $0x10, s17;
	s15 =	sadd.s32 $0x10, s15;
	v6 =	vsel vm0, $0xFFFFFFFF, v2;
	[tilespmem:s20+$0x680] =	vst v4  }
0x2d: {  	v4 =	vor.u32 s17, v1;
	v6 =	vadd.s32 v6, v7;
	v5 =	vld [tilespmem:s15+$0x0]  }
0x2e: {  	s19 =	sadd.s32 $0x1, s19;
	v9 =	vmov s17;
	v7 =	vmulhi.u32 $0x51EB851F, v4;
	v8 =	vmul.u32 $0xFFFFFFCE, v6  }
0x2f: {  	vm0 =	veq.s32 v9, v1;
	v52 =	vsub.s32 $0x0, v4  }
0x30: {  	s17 =	sshll.u32 s16, $0x4;
	v53 =	vshll.u32 v6, $0x3;
	v54 =	vand.u32 $0x7F, v6;
	v3 =	vadd.s32 v3, v8  }
0x31: {  	s18 =	sadd.s32 $0x10, s18;
	v7 =	vshrl.u32 v7, $0x4;
	s17 =	sand.u32 $0xFFFFFFC0, s17;
	v8 =	vand.u32 $0xFFFFFC00, v53;
	v3 =	vmul.u32 $0xFA000, v3  }
0x32: {  	s20 =	sshll.u32 s16, $0x5;
	v10 =	vmul.u32 $0xFFFFFFCE, v7;
	s17 =	ssub.s32 s18, s17;
	v6 =	vor.u32 v54, v8;
	v11 =	vshll.u32 v5, $0xA  }
0x33: {  	s16 =	sand.u32 $0x3FFFFF80, s20;
	v56 =	vshll.u32 v5, $0x7;
	s19 =	sand.u32 $0xFFFFFF80, s17;
	v55 =	vand.u32 $0xFFFFE000, v11;
	v3 =	vadd.s32 v3, v6  }
0x34: {  	s17 =	sand.u32 $0x70, s17;
	s16 =	sadd.s32 s19, s16;
	vm1 =	vne.s32 v10, v52;
	v5 =	vand.u32 $0x380, v56;
	v3 =	vadd.s32 v55, v3  }
0x35: {  	s16 =	sor.u32 s17, s16;
	vm0 =	vmand vm0, vm1;
	v3 =	vor.u32 v5, v3  }
0x36: {  	s15 =	sadd.s32 $0x10, s15;
	[tilespmem:s16+$0x680] =	vst v3;
	v3 =	vsel vm0, $0xFFFFFFFF, v2  }
0x37: {  	v57 =	vld [tilespmem:s15+$0x0];
	v3 =	vadd.s32 v3, v7  }
0x38: {  	v58 =	vmul.u32 $0xFFFFFFCE, v3;
	_ =	sdelay $0x1  }
0x39: {  	s21 =	sshll.u32 s14, $0x4;
	v60 =	vshll.u32 v3, $0x3;
	v59 =	vadd.s32 v4, v58  }
0x3a: {  	s22 =	sadd.s32 $0x10, s18;
	s15 =	sand.u32 $0xFFFFFFC0, s21;
	v3 =	vand.u32 $0x7F, v3;
	v6 =	vand.u32 $0xFFFFFC00, v60;
	v4 =	vmul.u32 $0xFA000, v59  }
0x3b: {  	s17 =	sshll.u32 s14, $0x5;
	s15 =	ssub.s32 s22, s15;
	v3 =	vor.u32 v3, v6;
	v61 =	vshll.u32 v57, $0xA  }
0x3c: {  	s14 =	sand.u32 $0x3FFFFF80, s17;
	s16 =	sand.u32 $0xFFFFFF80, s15;
	v5 =	vshll.u32 v57, $0x7;
	v62 =	vand.u32 $0xFFFFE000, v61;
	v3 =	vadd.s32 v4, v3  }
0x3d: {  	s15 =	sand.u32 $0x70, s15;
	s14 =	sadd.s32 s16, s14;
	v63 =	vand.u32 $0x380, v5;
	v3 =	vadd.s32 v62, v3  }
0x3e: {  	s14 =	sor.u32 s15, s14;
	v3 =	vor.u32 v63, v3  }
0x3f: {  	s18 =	simm.s32 $0x680;
	[tilespmem:s14+$0x680] =	vst v3  }
0x40: {  	[hbm4b:s2+s8] =	stream.indirect.scatter [tilespmem:s10], [sflag:$0x1], $0x1, s18, s8, $0xb8;
	[tilespmem:$0x1700] =	vst v63  }
0x41: {  	s19 =	simm.s32 $0x700  }
0x42: {  	[hbm4b:s2+s8] =	stream.indirect.scatter [tilespmem:s10], [sflag:$0x1], $0x1, s19, s8, $0xb8;
	[tilespmem:$0x1700] =	vst v63  }
0x43: {  	s20 =	simm.s32 $0x780  }
0x44: {  	[hbm4b:s2+s8] =	stream.indirect.scatter [tilespmem:s10], [sflag:$0x1], $0x1, s20, s8, $0xb8;
	[tilespmem:$0x1700] =	vst v63  }
0x45: {  	s21 =	simm.s32 $0x800  }
0x46: {  	[hbm4b:s2+s8] =	stream.indirect.scatter [tilespmem:s10], [sflag:$0x1], $0x1, s21, s8, $0xb8;
	[tilespmem:$0x1700] =	vst v63  }
0x47: {  	s22 =	simm.s32 $0x880  }
0x48: {  	[hbm4b:s2+s8] =	stream.indirect.scatter [tilespmem:s10], [sflag:$0x1], $0x1, s22, s8, $0xb8;
	[tilespmem:$0x1700] =	vst v63  }
0x49: {  	s15 =	simm.s32 $0x900  }
0x4a: {  	[hbm4b:s2+s8] =	stream.indirect.scatter [tilespmem:s10], [sflag:$0x1], $0x1, s15, s8, $0xb8;
	[tilespmem:$0x1700] =	vst v63  }
0x4b: {  	s16 =	simm.s32 $0x980  }
0x4c: {  	[hbm4b:s2+s8] =	stream.indirect.scatter [tilespmem:s10], [sflag:$0x1], $0x1, s16, s8, $0xb8;
	[tilespmem:$0x1700] =	vst v63  }
0x4d: {  	s17 =	simm.s32 $0xA00  }
0x4e: {  	[hbm4b:s2+s8] =	stream.indirect.scatter [tilespmem:s10], [sflag:$0x1], $0x1, s17, s8, $0xb8;
	[tilespmem:$0x1700] =	vst v63  }
0x4f: {  	s18 =	simm.s32 $0xA80  }
0x50: {  	[hbm4b:s2+s8] =	stream.indirect.scatter [tilespmem:s10], [sflag:$0x1], $0x1, s18, s8, $0xb8;
	[tilespmem:$0x1700] =	vst v63  }
0x51: {  	s19 =	simm.s32 $0xB00  }
0x52: {  	[hbm4b:s2+s8] =	stream.indirect.scatter [tilespmem:s10], [sflag:$0x1], $0x1, s19, s8, $0xb8;
	[tilespmem:$0x1700] =	vst v63  }
0x53: {  	s20 =	simm.s32 $0xB80  }
0x54: {  	[hbm4b:s2+s8] =	stream.indirect.scatter [tilespmem:s10], [sflag:$0x1], $0x1, s20, s8, $0xb8;
	[tilespmem:$0x1700] =	vst v63  }
0x55: {  	s21 =	simm.s32 $0xC00  }
0x56: {  	[hbm4b:s2+s8] =	stream.indirect.scatter [tilespmem:s10], [sflag:$0x1], $0x1, s21, s8, $0xb8;
	[tilespmem:$0x1700] =	vst v63  }
0x57: {  	s22 =	simm.s32 $0xC80  }
0x58: {  	[hbm4b:s2+s8] =	stream.indirect.scatter [tilespmem:s10], [sflag:$0x1], $0x1, s22, s8, $0xb8;
	[tilespmem:$0x1700] =	vst v63  }
0x59: {  	_ = 	snop  }
0x5a: {  	[hbm4b:s2+s8] =	stream.indirect.scatter [tilespmem:s10], [sflag:$0x1], $0x1, s23, s8, $0xb8;
	[tilespmem:$0x1700] =	vst v63  }
0x5b: {  	_ = 	snop  }
0x5c: {  	[hbm4b:s2+s8] =	stream.indirect.scatter [tilespmem:s10], [sflag:$0x1], $0x1, s24, s8, $0xb8;
	[tilespmem:$0x1700] =	vst v63  }
0x5d: {  	_ = 	snop  }
0x5e: {  	[hbm4b:s2+s8] =	stream.indirect.scatter [tilespmem:s10], [sflag:$0x1], $0x1, s25, s8, $0xb8;
	[tilespmem:$0x1700] =	vst v63  }
0x5f: {  	_ = 	snop  }
0x60: {  	[hbm4b:s2+s8] =	stream.indirect.scatter [tilespmem:s10], [sflag:$0x1], $0x1, s26, s8, $0xb8;
	[tilespmem:$0x1700] =	vst v63  }
0x61: {  	_ = 	snop  }
0x62: {  	[hbm4b:s2+s8] =	stream.indirect.scatter [tilespmem:s10], [sflag:$0x1], $0x1, s28, s8, $0xb8;
	[tilespmem:$0x1700] =	vst v63  }
0x63: {  	_ = 	snop  }
0x64: {  	[hbm4b:s2+s8] =	stream.indirect.scatter [tilespmem:s10], [sflag:$0x1], $0x1, s29, s8, $0xb8;
	[tilespmem:$0x1700] =	vst v63  }
0x65: {  	_ = 	snop  }
0x66: {  	[hbm4b:s2+s8] =	stream.indirect.scatter [tilespmem:s10], [sflag:$0x1], $0x1, s30, s8, $0xb8;
	[tilespmem:$0x1700] =	vst v63  }
0x67: {  	_ = 	snop  }
0x68: {  	[hbm4b:s2+s8] =	stream.indirect.scatter [tilespmem:s10], [sflag:$0x1], $0x1, s31, s8, $0xb8;
	[tilespmem:$0x1700] =	vst v63  }
0x69: {  	_ = 	snop  }
0x6a: {  	[hbm4b:s2+s8] =	stream.indirect.scatter [tilespmem:s10], [sflag:$0x1], $0x1, s1, s8, $0xb8;
	[tilespmem:$0x1700] =	vst v63  }
0x6b: {  	_ = 	snop  }
0x6c: {  	[hbm4b:s2+s8] =	stream.indirect.scatter [tilespmem:s10], [sflag:$0x1], $0x1, s0, s8, $0xb8;
	[tilespmem:$0x1700] =	vst v63  }
0x6d: {  	_ = 	snop  }
0x6e: {  	[hbm4b:s2+s8] =	stream.indirect.scatter [tilespmem:s10], [sflag:$0x1], $0x1, s9, s8, $0xb8;
	[tilespmem:$0x1700] =	vst v63  }
0x6f: {  	_ = 	snop  }
0x70: {  	[hbm4b:s2+s8] =	stream.indirect.scatter [tilespmem:s10], [sflag:$0x1], $0x1, s11, s8, $0xb8;
	[tilespmem:$0x1700] =	vst v63  }
0x71: {  	_ =	swait.ge [sflag:s12], $0x40  }
0x72: {  	[sflag:s12] =	ssyncset.done $0x0  }
0x73: {  	[sflag:s12] =	ssyncadd.s32 $0xFFFFFFC0  }
0x74: {  	_ =	swait.ge [sflag:s12], $0x40  }
0x75: {  	[sflag:s12] =	ssyncset.done $0x0  }
0x76: {  	[sflag:s12] =	ssyncadd.s32 $0xFFFFFFC0  }
0x77: {  	_ =	swait.ge [sflag:s12], $0x40  }
0x78: {  	[sflag:s12] =	ssyncset.done $0x0  }
0x79: {  	[sflag:s12] =	ssyncadd.s32 $0xFFFFFFC0  }
0x7a: {  	_ =	swait.ge [sflag:s12], $0x40  }
0x7b: {  	[sflag:s12] =	ssyncset.done $0x0  }
0x7c: {  	[sflag:s12] =	ssyncadd.s32 $0xFFFFFFC0  }
0x7d: {  	_ =	swait.ge [sflag:s12], $0x40  }
0x7e: {  	[sflag:s12] =	ssyncset.done $0x0  }
0x7f: {  	[sflag:s12] =	ssyncadd.s32 $0xFFFFFFC0  }
0x80: {  	_ =	swait.ge [sflag:s12], $0x40  }
0x81: {  	[sflag:s12] =	ssyncset.done $0x0  }
0x82: {  	[sflag:s12] =	ssyncadd.s32 $0xFFFFFFC0  }
0x83: {  	_ =	swait.ge [sflag:s12], $0x40  }
0x84: {  	[sflag:s12] =	ssyncset.done $0x0  }
0x85: {  	[sflag:s12] =	ssyncadd.s32 $0xFFFFFFC0  }
0x86: {  	_ =	swait.ge [sflag:s12], $0x40  }
0x87: {  	[sflag:s12] =	ssyncset.done $0x0  }
0x88: {  	[sflag:s12] =	ssyncadd.s32 $0xFFFFFFC0  }
0x89: {  	_ =	swait.ge [sflag:s12], $0x40  }
0x8a: {  	[sflag:s12] =	ssyncset.done $0x0  }
0x8b: {  	[sflag:s12] =	ssyncadd.s32 $0xFFFFFFC0  }
0x8c: {  	_ =	swait.ge [sflag:s12], $0x40  }
0x8d: {  	[sflag:s12] =	ssyncset.done $0x0  }
0x8e: {  	[sflag:s12] =	ssyncadd.s32 $0xFFFFFFC0  }
0x8f: {  	_ =	swait.ge [sflag:s12], $0x40  }
0x90: {  	[sflag:s12] =	ssyncset.done $0x0  }
0x91: {  	[sflag:s12] =	ssyncadd.s32 $0xFFFFFFC0  }
0x92: {  	_ =	swait.ge [sflag:s12], $0x40  }
0x93: {  	[sflag:s12] =	ssyncset.done $0x0  }
0x94: {  	[sflag:s12] =	ssyncadd.s32 $0xFFFFFFC0  }
0x95: {  	_ =	swait.ge [sflag:s12], $0x40  }
0x96: {  	[sflag:s12] =	ssyncset.done $0x0  }
0x97: {  	[sflag:s12] =	ssyncadd.s32 $0xFFFFFFC0  }
0x98: {  	_ =	swait.ge [sflag:s12], $0x40  }
0x99: {  	[sflag:s12] =	ssyncset.done $0x0  }
0x9a: {  	[sflag:s12] =	ssyncadd.s32 $0xFFFFFFC0  }
0x9b: {  	_ =	swait.ge [sflag:s12], $0x40  }
0x9c: {  	[sflag:s12] =	ssyncset.done $0x0  }
0x9d: {  	[sflag:s12] =	ssyncadd.s32 $0xFFFFFFC0  }
0x9e: {  	_ =	swait.ge [sflag:s12], $0x40  }
0x9f: {  	[sflag:s12] =	ssyncset.done $0x0  }
0xa0: {  	[sflag:s12] =	ssyncadd.s32 $0xFFFFFFC0  }
0xa1: {  	_ =	swait.ge [sflag:s12], $0x40  }
0xa2: {  	[sflag:s12] =	ssyncset.done $0x0  }
0xa3: {  	[sflag:s12] =	ssyncadd.s32 $0xFFFFFFC0  }
0xa4: {  	_ =	swait.ge [sflag:s12], $0x40  }
0xa5: {  	[sflag:s12] =	ssyncset.done $0x0  }
0xa6: {  	[sflag:s12] =	ssyncadd.s32 $0xFFFFFFC0  }
0xa7: {  	_ =	swait.ge [sflag:s12], $0x40  }
0xa8: {  	[sflag:s12] =	ssyncset.done $0x0  }
0xa9: {  	[sflag:s12] =	ssyncadd.s32 $0xFFFFFFC0  }
0xaa: {  	_ =	swait.ge [sflag:s12], $0x40  }
0xab: {  	[sflag:s12] =	ssyncset.done $0x0  }
0xac: {  	[sflag:s12] =	ssyncadd.s32 $0xFFFFFFC0  }
0xad: {  	_ =	swait.ge [sflag:s12], $0x40  }
0xae: {  	[sflag:s12] =	ssyncset.done $0x0  }
0xaf: {  	[sflag:s12] =	ssyncadd.s32 $0xFFFFFFC0  }
0xb0: {  	_ =	swait.ge [sflag:s12], $0x40  }
0xb1: {  	[sflag:s12] =	ssyncset.done $0x0  }
0xb2: {  	[sflag:s12] =	ssyncadd.s32 $0xFFFFFFC0  }
0xb3: {  	_ =	swait.ge [sflag:s12], $0x40  }
0xb4: {  	[sflag:s12] =	ssyncset.done $0x0  }
0xb5: {  	s13 =	sadd.s32 $0x1, s13;
	[sflag:s12] =	ssyncadd.s32 $0xFFFFFFC0  }
0xb6: {  	p0 =	sne.s32 s13, s5;
	_ =	swait.ge [sflag:s12], $0x40  }
.Ltmp1:
0xb7: {  	[sflag:s12] =	ssyncset.done $0x0;
	(pc) =	sbr.rel @p0 .LBB2_1-.Ltmp1, $4  }
0xb8: {  	[sflag:s12] =	ssyncadd.s32 $0xFFFFFFC0  }
0xb9: {  	_ =	swait.ge [sflag:s12], $0x40  }
0xba: {  	[sflag:s12] =	ssyncset.done $0x0  }
0xbb: {  	[sflag:s12] =	ssyncadd.s32 $0xFFFFFFC0  }
0xbc: {  	_ =	sfence.sel $0x180000  }
0xbd: {  	[bflag:$0x0] =	sbarrier.arrive $0xFFFF  }
0xbe: {  	_ =	strace $0x90000047  }
0xbf: {  	s0 =	stileid.u32;
	[bflag:$0x2] =	sbarrier.arrive $0xFFFF  }
0xc0: {  	p0 =	sne.s32 s0, $0x0;
	s0 =	rddreg [dreg:$0x2]  }
0xc1: {  	s0 =	sadd.s32 @!p0 $0x100000, s0  }
0xc2: {  	[sflag:s0] =	ssyncadd.tile.s32 @!p0 $0x1;
	_ =	shalt  }
.Lfunc_end2:
_tile_overlayer_lowered:
.L_overlay_start_2:
0xc3: {  	(tag) =	ssettag $0x2  }
0xc4: {  	s0 =	rddreg [dreg:$0x0];
	s2 =	stileid.u32  }
0xc5: {  	s1 =	rddreg [dreg:$0x1];
	p0 =	sne.s32 s2, $0x0  }
0xc6: {  	s3 =	rddreg [dreg:$0x2];
	[bflag:$0x3] =	sbarrier.arrive $0xFFFF;
	s2 =	simm.s32 @!p0 $0x1C02  }
0xc7: {  	[timem:s3], [sflag:s2] =	dma.local @!p0 [hbm:s0], s1  }
0xc8: {  	s0 =	simm.s32 @!p0 $0x2  }
0xc9: {  	_ =	swait.ge @!p0 [sflag:s0], s1  }
0xca: {  	s1 =	ssub.s32 @!p0 $0x0, s1;
	[sflag:s0] =	ssyncset.done @!p0 $0x0  }
0xcb: {  	[sflag:s0] =	ssyncadd.s32 @!p0 s1  }
0xcc: {  	[bflag:$0x3] =	sbarrier.arrive $0xFFFF  }
0xcd: {  	_ =	shalt  }

</sc_bundles>
